<compile_context>
chip_gen: v7x
topology: tpu7x:2x2x1
jax: 0.10.2.dev20260603
libtpu: 0.0.44.dev20260713+nightly
codegen_flags: <defaults>
</compile_context>

<pallas_src>
import jax
import jax.numpy as jnp
from jax import lax
from jax.experimental import pallas as pl
from jax.experimental.pallas import tpu as pltpu
from jax.experimental.pallas import tpu_sc as plsc

EMBED = 64
NC = 2
NS = 16
NW = NC * NS
IW = 128
ROWS_PER_PASS = 2


def _gather_body(idx_hbm, emb_hbm, out_hbm, idx_sh, idx_s, rows_v, sem, wsem):
    cid = lax.axis_index("c")
    sid = lax.axis_index("s")
    wid = sid * NC + cid
    n_rows = idx_s.shape[0]
    rpw = n_rows * IW
    pg = ROWS_PER_PASS * IW
    n_pass = n_rows // ROWS_PER_PASS
    base = wid * rpw
    pltpu.sync_copy(idx_hbm.at[pl.ds(wid * n_rows, n_rows)], idx_sh.at[sid])
    pltpu.sync_copy(idx_sh.at[sid], idx_s)

    def fire(p):
        buf = (p % 2) * pg

        def body(jj, carry):
            j = p * ROWS_PER_PASS + jj

            def inner(k, c2):
                r = idx_s[j, k]
                pltpu.async_copy(
                    emb_hbm.at[pl.ds(r, 1)],
                    rows_v.at[pl.ds(buf + jj * IW + k, 1)],
                    sem,
                )
                return c2

            return lax.fori_loop(0, IW, inner, carry)

        lax.fori_loop(0, ROWS_PER_PASS, body, 0)

    def drain(p):
        buf = (p % 2) * pg
        pltpu.make_async_copy(
            emb_hbm.at[pl.ds(0, pg)], rows_v.at[pl.ds(buf, pg)], sem
        ).wait()

    def writeback(p):
        buf = (p % 2) * pg
        return pltpu.async_copy(
            rows_v.at[pl.ds(buf, pg)],
            out_hbm.at[pl.ds(base + p * pg, pg)],
            wsem,
        )

    wbs = [None, None]
    for p in range(n_pass):
        if wbs[p % 2] is not None:
            wbs[p % 2].wait()
        fire(p)
        drain(p)
        wbs[p % 2] = writeback(p)
    for wb in wbs:
        if wb is not None:
            wb.wait()


def _sc_gather(idx2d, emb):
    n_total = idx2d.shape[0]
    n_per_w = n_total // NW
    return pl.kernel(
        _gather_body,
        out_type=jax.ShapeDtypeStruct((n_total * IW, EMBED), jnp.float32),
        mesh=plsc.VectorSubcoreMesh(core_axis_name="c", subcore_axis_name="s"),
        scratch_types=[
            pltpu.VMEM_SHARED((NS, n_per_w, IW), jnp.int32),
            pltpu.SMEM((n_per_w, IW), jnp.int32),
            pltpu.VMEM((2 * ROWS_PER_PASS * IW, EMBED), jnp.float32),
            pltpu.SemaphoreType.DMA,
            pltpu.SemaphoreType.DMA,
        ],
    )(idx2d, emb)


def _mlp_body(e_ref, w1t_ref, b1_ref, w2t_ref, b2_ref, o_ref):
    h = jnp.dot(e_ref[...], w1t_ref[...], preferred_element_type=jnp.float32)
    h = jnp.maximum(h + b1_ref[...], 0.0)
    o = jnp.dot(h, w2t_ref[...], preferred_element_type=jnp.float32)
    o_ref[...] = jax.nn.sigmoid(o + b2_ref[...])


def _mlp(e, w1t, b1, w2t, b2, block_b):
    B, F = e.shape
    return pl.pallas_call(
        _mlp_body,
        grid=(B // block_b,),
        in_specs=[
            pl.BlockSpec((block_b, F), lambda i: (i, 0)),
            pl.BlockSpec((F, F), lambda i: (0, 0)),
            pl.BlockSpec((1, F), lambda i: (0, 0)),
            pl.BlockSpec((F, 1), lambda i: (0, 0)),
            pl.BlockSpec((1, 1), lambda i: (0, 0)),
        ],
        out_specs=pl.BlockSpec((block_b, 1), lambda i: (i, 0)),
        out_shape=jax.ShapeDtypeStruct((B, 1), jnp.float32),
    )(e, w1t, b1, w2t, b2)


def kernel(x, emb, W1, b1, W2, b2):
    B = x.shape[0]
    idx2d = x.reshape(-1, IW)
    e_rows = _sc_gather(idx2d, emb)
    e = e_rows.reshape(B, 2 * EMBED)
    return _mlp(
        e,
        W1.T,
        b1.reshape(1, -1),
        W2.T,
        b2.reshape(1, 1),
        block_b=2048,
    )

# --- scband reference (transcript-rebuilt; emitter-appended) ---
"""Pipeline reference for scband-model-89781996355851 (READ-ONLY COPY).

The authoritative reference and input builder live on the scoring server;
editing this copy changes nothing except your own understanding.
"""

import jax, jax.numpy as jnp
import numpy as np

NUM_ITEMS = 1000000
EMBED = 64
BATCH = 16384

def setup_inputs(seed: int = 0) -> dict:
    key = jax.random.key(seed)
    k0, k1, k2, k3 = jax.random.split(key, 4)
    initrange = 0.1
    x = jax.random.randint(k0, (BATCH, 2), 0, NUM_ITEMS + 1, dtype=jnp.int64 if jax.config.jax_enable_x64 else jnp.int32).astype(jnp.int32)
    emb = jax.random.uniform(k1, (NUM_ITEMS + 1, EMBED), dtype=jnp.float32, minval=-initrange, maxval=initrange)
    W1 = jax.random.uniform(k2, (EMBED * 2, EMBED * 2), dtype=jnp.float32, minval=-initrange, maxval=initrange)
    b1 = jnp.zeros((EMBED * 2,), dtype=jnp.float32)
    W2 = jax.random.uniform(k3, (1, EMBED * 2), dtype=jnp.float32, minval=-initrange, maxval=initrange)
    b2 = jnp.zeros((1,), dtype=jnp.float32)
    return {"x": x, "emb": emb, "W1": W1, "b1": b1, "W2": W2, "b2": b2}

def reference(x, emb, W1, b1, W2, b2):
    B = x.shape[0]
    e = jnp.take(emb, x, axis=0).reshape(B, EMBED * 2)
    h = jax.nn.relu(e @ W1.T + b1)
    out = jax.nn.sigmoid(h @ W2.T + b2)
    return out

if __name__ == "__main__":
    import jax
    _d = setup_inputs()
    print(jax.jit(kernel)(*tuple(_d.values())))

</pallas_src>

<mosaic_0001>
#map = affine_map<(d0, d1) -> (0, 0)>
module attributes {stable_mosaic.version = 14 : i64} {
  func.func @_gather_body(%arg0: i32, %arg1: i32, %arg2: memref<256x128xi32, #tpu.memory_space<hbm>>, %arg3: memref<1000001x64xf32, #tpu.memory_space<hbm>>, %arg4: memref<32768x64xf32, #tpu.memory_space<hbm>>, %arg5: memref<16x8x128xi32, #tpu.memory_space<vmem_shared>>, %arg6: memref<8x128xi32, #tpu.memory_space<smem>>, %arg7: memref<512x64xf32, #tpu.memory_space<vmem>>, %arg8: memref<!tpu.dma_semaphore, #tpu.memory_space<semaphore_mem>>, %arg9: memref<!tpu.dma_semaphore, #tpu.memory_space<semaphore_mem>>) attributes {dimension_semantics = [#tpu.dimension_semantics<core_parallel>, #tpu.dimension_semantics<subcore_parallel>], iteration_bounds = array<i64: 2, 16>, scalar_prefetch = 0 : i64, scratch_operands = 5 : i64, tpu.core_type = #tpu.core_type<sc_vector_subcore>, window_params = [{transform_indices = #map}, {transform_indices = #map}, {transform_indices = #map}]} {
    %mul3A = arith.constant 2 : i32
    %mul3A_0 = arith.muli %arg1, %mul3A : i32
    %add3A = arith.addi %mul3A_0, %arg0 : i32
    %mul3A_1 = arith.constant 1024 : i32
    %mul3A_2 = arith.muli %add3A, %mul3A_1 : i32
    %mul3A_3 = arith.constant 8 : i32
    %mul3A_4 = arith.muli %add3A, %mul3A_3 : i32
    "tpu.region"() ({
      %run_scoped3A = tpu.sem_alloc : memref<!tpu.dma_semaphore, #tpu.memory_space<semaphore_mem>>
      %dma_start3A_162 = arith.constant 0 : i32
      %dma_start3A_163 = arith.constant 0 : i32
      %dma_start3A_164 = tpu.memref_slice %arg5[%arg1, %dma_start3A_162, %dma_start3A_163] : memref<16x8x128xi32, #tpu.memory_space<vmem_shared>> -> memref<1x8x128xi32, #tpu.memory_space<vmem_shared>>
      %dma_start3A_165 = tpu.memref_squeeze %dma_start3A_164 : memref<1x8x128xi32, #tpu.memory_space<vmem_shared>> -> memref<8x128xi32, #tpu.memory_space<vmem_shared>>
      %dma_start3A_166 = arith.constant 0 : i32
      %dma_start3A_167 = tpu.memref_slice %arg2[%mul3A_4, %dma_start3A_166] : memref<256x128xi32, #tpu.memory_space<hbm>> -> memref<8x128xi32, #tpu.memory_space<hbm>>
      tpu.enqueue_dma source(%dma_start3A_167 : memref<8x128xi32, #tpu.memory_space<hbm>>) target(%dma_start3A_165 : memref<8x128xi32, #tpu.memory_space<vmem_shared>>) target_semaphore(%run_scoped3A : memref<!tpu.dma_semaphore, #tpu.memory_space<semaphore_mem>>)
      %dma_wait3A_168 = arith.constant 0 : i32
      %dma_wait3A_169 = arith.constant 0 : i32
      %dma_wait3A_170 = tpu.memref_slice %arg5[%arg1, %dma_wait3A_168, %dma_wait3A_169] : memref<16x8x128xi32, #tpu.memory_space<vmem_shared>> -> memref<1x8x128xi32, #tpu.memory_space<vmem_shared>>
      %dma_wait3A_171 = tpu.memref_squeeze %dma_wait3A_170 : memref<1x8x128xi32, #tpu.memory_space<vmem_shared>> -> memref<8x128xi32, #tpu.memory_space<vmem_shared>>
      %dma_wait3A_172 = arith.constant 0 : i32
      %dma_wait3A_173 = tpu.memref_slice %arg2[%mul3A_4, %dma_wait3A_172] : memref<256x128xi32, #tpu.memory_space<hbm>> -> memref<8x128xi32, #tpu.memory_space<hbm>>
      tpu.wait_dma2 semaphore(%run_scoped3A : memref<!tpu.dma_semaphore, #tpu.memory_space<semaphore_mem>>) src(%dma_wait3A_173 : memref<8x128xi32, #tpu.memory_space<hbm>>) dst(%dma_wait3A_171 : memref<8x128xi32, #tpu.memory_space<vmem_shared>>)
      tpu.yield
    }) : () -> ()
    "tpu.region"() ({
      %run_scoped3A = tpu.sem_alloc : memref<!tpu.dma_semaphore, #tpu.memory_space<semaphore_mem>>
      %dma_start3A_162 = arith.constant 0 : i32
      %dma_start3A_163 = arith.constant 0 : i32
      %dma_start3A_164 = tpu.memref_slice %arg5[%arg1, %dma_start3A_162, %dma_start3A_163] : memref<16x8x128xi32, #tpu.memory_space<vmem_shared>> -> memref<1x8x128xi32, #tpu.memory_space<vmem_shared>>
      %dma_start3A_165 = tpu.memref_squeeze %dma_start3A_164 : memref<1x8x128xi32, #tpu.memory_space<vmem_shared>> -> memref<8x128xi32, #tpu.memory_space<vmem_shared>>
      tpu.enqueue_dma source(%dma_start3A_165 : memref<8x128xi32, #tpu.memory_space<vmem_shared>>) target(%arg6 : memref<8x128xi32, #tpu.memory_space<smem>>) target_semaphore(%run_scoped3A : memref<!tpu.dma_semaphore, #tpu.memory_space<semaphore_mem>>)
      %dma_wait3A_166 = arith.constant 0 : i32
      %dma_wait3A_167 = arith.constant 0 : i32
      %dma_wait3A_168 = tpu.memref_slice %arg5[%arg1, %dma_wait3A_166, %dma_wait3A_167] : memref<16x8x128xi32, #tpu.memory_space<vmem_shared>> -> memref<1x8x128xi32, #tpu.memory_space<vmem_shared>>
      %dma_wait3A_169 = tpu.memref_squeeze %dma_wait3A_168 : memref<1x8x128xi32, #tpu.memory_space<vmem_shared>> -> memref<8x128xi32, #tpu.memory_space<vmem_shared>>
      tpu.wait_dma2 semaphore(%run_scoped3A : memref<!tpu.dma_semaphore, #tpu.memory_space<semaphore_mem>>) src(%dma_wait3A_169 : memref<8x128xi32, #tpu.memory_space<vmem_shared>>) dst(%arg6 : memref<8x128xi32, #tpu.memory_space<smem>>)
      tpu.yield
    }) : () -> ()
    %scan3A = arith.constant 0 : i32
    %scan3A_5 = arith.constant 0 : i32
    %scan3A_6 = arith.constant 2 : i32
    %scan3A_7 = arith.addi %scan3A_5, %scan3A_6 : i32
    %scan3A_8 = arith.constant 1 : i32
    scf.for %scan3A_162 = %scan3A_5 to %scan3A_7 step %scan3A_8  : i32 {
      %add3A_163 = arith.constant 0 : i32
      %add3A_164 = arith.addi %add3A_163, %scan3A_162 : i32
      %scan3A_165 = arith.constant 0 : i32
      %scan3A_166 = arith.constant 128 : i32
      %scan3A_167 = arith.addi %scan3A_165, %scan3A_166 : i32
      %scan3A_168 = arith.constant 1 : i32
      scf.for %scan3A_170 = %scan3A_165 to %scan3A_167 step %scan3A_168  : i32 {
        %get3A = arith.index_cast %add3A_164 : i32 to index
        %get3A_171 = arith.index_cast %scan3A_170 : i32 to index
        %get3A_172 = memref.load %arg6[%get3A, %get3A_171] : memref<8x128xi32, #tpu.memory_space<smem>>
        %mul3A_173 = arith.constant 128 : i32
        %mul3A_174 = arith.muli %scan3A_162, %mul3A_173 : i32
        %add3A_175 = arith.constant 0 : i32
        %add3A_176 = arith.addi %add3A_175, %mul3A_174 : i32
        %add3A_177 = arith.addi %add3A_176, %scan3A_170 : i32
        %dma_start3A_178 = arith.constant 0 : i32
        %dma_start3A_179 = tpu.memref_slice %arg7[%add3A_177, %dma_start3A_178] : memref<512x64xf32, #tpu.memory_space<vmem>> -> memref<1x64xf32, #tpu.memory_space<vmem>>
        %dma_start3A_180 = arith.constant 0 : i32
        %dma_start3A_181 = tpu.memref_slice %arg3[%get3A_172, %dma_start3A_180] : memref<1000001x64xf32, #tpu.memory_space<hbm>> -> memref<1x64xf32, #tpu.memory_space<hbm>>
        %dma_start3A_182 = arith.constant 0 : i32
        %dma_start3A_183 = tpu.memref_slice %arg7[%add3A_177, %dma_start3A_182] : memref<512x64xf32, #tpu.memory_space<vmem>> -> memref<1x64xf32, #tpu.memory_space<vmem>>
        %dma_start3A_184 = arith.constant 0 : i32
        %dma_start3A_185 = tpu.memref_slice %arg3[%get3A_172, %dma_start3A_184] : memref<1000001x64xf32, #tpu.memory_space<hbm>> -> memref<1x64xf32, #tpu.memory_space<hbm>>
        tpu.enqueue_dma source(%dma_start3A_185 : memref<1x64xf32, #tpu.memory_space<hbm>>) target(%dma_start3A_183 : memref<1x64xf32, #tpu.memory_space<vmem>>) target_semaphore(%arg8 : memref<!tpu.dma_semaphore, #tpu.memory_space<semaphore_mem>>)
      }
      %scan3A_169 = arith.constant 128 : i32
    }
    %scan3A_9 = arith.constant 2 : i32
    %dma_wait3A = arith.constant 0 : i32
    %dma_wait3A_10 = arith.constant 0 : i32
    %dma_wait3A_11 = tpu.memref_slice %arg7[%dma_wait3A, %dma_wait3A_10] : memref<512x64xf32, #tpu.memory_space<vmem>> -> memref<256x64xf32, #tpu.memory_space<vmem>>
    %dma_wait3A_12 = arith.constant 0 : i32
    %dma_wait3A_13 = arith.constant 0 : i32
    %dma_wait3A_14 = tpu.memref_slice %arg3[%dma_wait3A_12, %dma_wait3A_13] : memref<1000001x64xf32, #tpu.memory_space<hbm>> -> memref<256x64xf32, #tpu.memory_space<hbm>>
    %dma_wait3A_15 = arith.constant 0 : i32
    %dma_wait3A_16 = arith.constant 0 : i32
    %dma_wait3A_17 = tpu.memref_slice %arg7[%dma_wait3A_15, %dma_wait3A_16] : memref<512x64xf32, #tpu.memory_space<vmem>> -> memref<256x64xf32, #tpu.memory_space<vmem>>
    %dma_wait3A_18 = arith.constant 0 : i32
    %dma_wait3A_19 = arith.constant 0 : i32
    %dma_wait3A_20 = tpu.memref_slice %arg3[%dma_wait3A_18, %dma_wait3A_19] : memref<1000001x64xf32, #tpu.memory_space<hbm>> -> memref<256x64xf32, #tpu.memory_space<hbm>>
    tpu.wait_dma2 semaphore(%arg8 : memref<!tpu.dma_semaphore, #tpu.memory_space<semaphore_mem>>) src(%dma_wait3A_20 : memref<256x64xf32, #tpu.memory_space<hbm>>) dst(%dma_wait3A_17 : memref<256x64xf32, #tpu.memory_space<vmem>>)
    %add3A_21 = arith.constant 0 : i32
    %add3A_22 = arith.addi %mul3A_2, %add3A_21 : i32
    %dma_start3A = arith.constant 0 : i32
    %dma_start3A_23 = arith.constant 0 : i32
    %dma_start3A_24 = tpu.memref_slice %arg7[%dma_start3A, %dma_start3A_23] : memref<512x64xf32, #tpu.memory_space<vmem>> -> memref<256x64xf32, #tpu.memory_space<vmem>>
    %dma_start3A_25 = arith.constant 0 : i32
    %dma_start3A_26 = tpu.memref_slice %arg4[%add3A_22, %dma_start3A_25] : memref<32768x64xf32, #tpu.memory_space<hbm>> -> memref<256x64xf32, #tpu.memory_space<hbm>>
    %dma_start3A_27 = arith.constant 0 : i32
    %dma_start3A_28 = tpu.memref_slice %arg4[%add3A_22, %dma_start3A_27] : memref<32768x64xf32, #tpu.memory_space<hbm>> -> memref<256x64xf32, #tpu.memory_space<hbm>>
    %dma_start3A_29 = arith.constant 0 : i32
    %dma_start3A_30 = arith.constant 0 : i32
    %dma_start3A_31 = tpu.memref_slice %arg7[%dma_start3A_29, %dma_start3A_30] : memref<512x64xf32, #tpu.memory_space<vmem>> -> memref<256x64xf32, #tpu.memory_space<vmem>>
    tpu.enqueue_dma source(%dma_start3A_31 : memref<256x64xf32, #tpu.memory_space<vmem>>) target(%dma_start3A_28 : memref<256x64xf32, #tpu.memory_space<hbm>>) target_semaphore(%arg9 : memref<!tpu.dma_semaphore, #tpu.memory_space<semaphore_mem>>)
    %scan3A_32 = arith.constant 0 : i32
    %scan3A_33 = arith.constant 0 : i32
    %scan3A_34 = arith.constant 2 : i32
    %scan3A_35 = arith.addi %scan3A_33, %scan3A_34 : i32
    %scan3A_36 = arith.constant 1 : i32
    scf.for %scan3A_162 = %scan3A_33 to %scan3A_35 step %scan3A_36  : i32 {
      %add3A_163 = arith.constant 2 : i32
      %add3A_164 = arith.addi %add3A_163, %scan3A_162 : i32
      %scan3A_165 = arith.constant 0 : i32
      %scan3A_166 = arith.constant 128 : i32
      %scan3A_167 = arith.addi %scan3A_165, %scan3A_166 : i32
      %scan3A_168 = arith.constant 1 : i32
      scf.for %scan3A_170 = %scan3A_165 to %scan3A_167 step %scan3A_168  : i32 {
        %get3A = arith.index_cast %add3A_164 : i32 to index
        %get3A_171 = arith.index_cast %scan3A_170 : i32 to index
        %get3A_172 = memref.load %arg6[%get3A, %get3A_171] : memref<8x128xi32, #tpu.memory_space<smem>>
        %mul3A_173 = arith.constant 128 : i32
        %mul3A_174 = arith.muli %scan3A_162, %mul3A_173 : i32
        %add3A_175 = arith.constant 256 : i32
        %add3A_176 = arith.addi %add3A_175, %mul3A_174 : i32
        %add3A_177 = arith.addi %add3A_176, %scan3A_170 : i32
        %dma_start3A_178 = arith.constant 0 : i32
        %dma_start3A_179 = tpu.memref_slice %arg7[%add3A_177, %dma_start3A_178] : memref<512x64xf32, #tpu.memory_space<vmem>> -> memref<1x64xf32, #tpu.memory_space<vmem>>
        %dma_start3A_180 = arith.constant 0 : i32
        %dma_start3A_181 = tpu.memref_slice %arg3[%get3A_172, %dma_start3A_180] : memref<1000001x64xf32, #tpu.memory_space<hbm>> -> memref<1x64xf32, #tpu.memory_space<hbm>>
        %dma_start3A_182 = arith.constant 0 : i32
        %dma_start3A_183 = tpu.memref_slice %arg7[%add3A_177, %dma_start3A_182] : memref<512x64xf32, #tpu.memory_space<vmem>> -> memref<1x64xf32, #tpu.memory_space<vmem>>
        %dma_start3A_184 = arith.constant 0 : i32
        %dma_start3A_185 = tpu.memref_slice %arg3[%get3A_172, %dma_start3A_184] : memref<1000001x64xf32, #tpu.memory_space<hbm>> -> memref<1x64xf32, #tpu.memory_space<hbm>>
        tpu.enqueue_dma source(%dma_start3A_185 : memref<1x64xf32, #tpu.memory_space<hbm>>) target(%dma_start3A_183 : memref<1x64xf32, #tpu.memory_space<vmem>>) target_semaphore(%arg8 : memref<!tpu.dma_semaphore, #tpu.memory_space<semaphore_mem>>)
      }
      %scan3A_169 = arith.constant 128 : i32
    }
    %scan3A_37 = arith.constant 2 : i32
    %dma_wait3A_38 = arith.constant 256 : i32
    %dma_wait3A_39 = arith.constant 0 : i32
    %dma_wait3A_40 = tpu.memref_slice %arg7[%dma_wait3A_38, %dma_wait3A_39] : memref<512x64xf32, #tpu.memory_space<vmem>> -> memref<256x64xf32, #tpu.memory_space<vmem>>
    %dma_wait3A_41 = arith.constant 0 : i32
    %dma_wait3A_42 = arith.constant 0 : i32
    %dma_wait3A_43 = tpu.memref_slice %arg3[%dma_wait3A_41, %dma_wait3A_42] : memref<1000001x64xf32, #tpu.memory_space<hbm>> -> memref<256x64xf32, #tpu.memory_space<hbm>>
    %dma_wait3A_44 = arith.constant 256 : i32
    %dma_wait3A_45 = arith.constant 0 : i32
    %dma_wait3A_46 = tpu.memref_slice %arg7[%dma_wait3A_44, %dma_wait3A_45] : memref<512x64xf32, #tpu.memory_space<vmem>> -> memref<256x64xf32, #tpu.memory_space<vmem>>
    %dma_wait3A_47 = arith.constant 0 : i32
    %dma_wait3A_48 = arith.constant 0 : i32
    %dma_wait3A_49 = tpu.memref_slice %arg3[%dma_wait3A_47, %dma_wait3A_48] : memref<1000001x64xf32, #tpu.memory_space<hbm>> -> memref<256x64xf32, #tpu.memory_space<hbm>>
    tpu.wait_dma2 semaphore(%arg8 : memref<!tpu.dma_semaphore, #tpu.memory_space<semaphore_mem>>) src(%dma_wait3A_49 : memref<256x64xf32, #tpu.memory_space<hbm>>) dst(%dma_wait3A_46 : memref<256x64xf32, #tpu.memory_space<vmem>>)
    %add3A_50 = arith.constant 256 : i32
    %add3A_51 = arith.addi %mul3A_2, %add3A_50 : i32
    %dma_start3A_52 = arith.constant 256 : i32
    %dma_start3A_53 = arith.constant 0 : i32
    %dma_start3A_54 = tpu.memref_slice %arg7[%dma_start3A_52, %dma_start3A_53] : memref<512x64xf32, #tpu.memory_space<vmem>> -> memref<256x64xf32, #tpu.memory_space<vmem>>
    %dma_start3A_55 = arith.constant 0 : i32
    %dma_start3A_56 = tpu.memref_slice %arg4[%add3A_51, %dma_start3A_55] : memref<32768x64xf32, #tpu.memory_space<hbm>> -> memref<256x64xf32, #tpu.memory_space<hbm>>
    %dma_start3A_57 = arith.constant 0 : i32
    %dma_start3A_58 = tpu.memref_slice %arg4[%add3A_51, %dma_start3A_57] : memref<32768x64xf32, #tpu.memory_space<hbm>> -> memref<256x64xf32, #tpu.memory_space<hbm>>
    %dma_start3A_59 = arith.constant 256 : i32
    %dma_start3A_60 = arith.constant 0 : i32
    %dma_start3A_61 = tpu.memref_slice %arg7[%dma_start3A_59, %dma_start3A_60] : memref<512x64xf32, #tpu.memory_space<vmem>> -> memref<256x64xf32, #tpu.memory_space<vmem>>
    tpu.enqueue_dma source(%dma_start3A_61 : memref<256x64xf32, #tpu.memory_space<vmem>>) target(%dma_start3A_58 : memref<256x64xf32, #tpu.memory_space<hbm>>) target_semaphore(%arg9 : memref<!tpu.dma_semaphore, #tpu.memory_space<semaphore_mem>>)
    %dma_wait3A_62 = arith.constant 0 : i32
    %dma_wait3A_63 = arith.constant 0 : i32
    %dma_wait3A_64 = tpu.memref_slice %arg7[%dma_wait3A_62, %dma_wait3A_63] : memref<512x64xf32, #tpu.memory_space<vmem>> -> memref<256x64xf32, #tpu.memory_space<vmem>>
    %dma_wait3A_65 = arith.constant 0 : i32
    %dma_wait3A_66 = tpu.memref_slice %arg4[%add3A_22, %dma_wait3A_65] : memref<32768x64xf32, #tpu.memory_space<hbm>> -> memref<256x64xf32, #tpu.memory_space<hbm>>
    %dma_wait3A_67 = arith.constant 0 : i32
    %dma_wait3A_68 = tpu.memref_slice %arg4[%add3A_22, %dma_wait3A_67] : memref<32768x64xf32, #tpu.memory_space<hbm>> -> memref<256x64xf32, #tpu.memory_space<hbm>>
    %dma_wait3A_69 = arith.constant 0 : i32
    %dma_wait3A_70 = arith.constant 0 : i32
    %dma_wait3A_71 = tpu.memref_slice %arg7[%dma_wait3A_69, %dma_wait3A_70] : memref<512x64xf32, #tpu.memory_space<vmem>> -> memref<256x64xf32, #tpu.memory_space<vmem>>
    tpu.wait_dma2 semaphore(%arg9 : memref<!tpu.dma_semaphore, #tpu.memory_space<semaphore_mem>>) src(%dma_wait3A_71 : memref<256x64xf32, #tpu.memory_space<vmem>>) dst(%dma_wait3A_68 : memref<256x64xf32, #tpu.memory_space<hbm>>)
    %scan3A_72 = arith.constant 0 : i32
    %scan3A_73 = arith.constant 0 : i32
    %scan3A_74 = arith.constant 2 : i32
    %scan3A_75 = arith.addi %scan3A_73, %scan3A_74 : i32
    %scan3A_76 = arith.constant 1 : i32
    scf.for %scan3A_162 = %scan3A_73 to %scan3A_75 step %scan3A_76  : i32 {
      %add3A_163 = arith.constant 4 : i32
      %add3A_164 = arith.addi %add3A_163, %scan3A_162 : i32
      %scan3A_165 = arith.constant 0 : i32
      %scan3A_166 = arith.constant 128 : i32
      %scan3A_167 = arith.addi %scan3A_165, %scan3A_166 : i32
      %scan3A_168 = arith.constant 1 : i32
      scf.for %scan3A_170 = %scan3A_165 to %scan3A_167 step %scan3A_168  : i32 {
        %get3A = arith.index_cast %add3A_164 : i32 to index
        %get3A_171 = arith.index_cast %scan3A_170 : i32 to index
        %get3A_172 = memref.load %arg6[%get3A, %get3A_171] : memref<8x128xi32, #tpu.memory_space<smem>>
        %mul3A_173 = arith.constant 128 : i32
        %mul3A_174 = arith.muli %scan3A_162, %mul3A_173 : i32
        %add3A_175 = arith.constant 0 : i32
        %add3A_176 = arith.addi %add3A_175, %mul3A_174 : i32
        %add3A_177 = arith.addi %add3A_176, %scan3A_170 : i32
        %dma_start3A_178 = arith.constant 0 : i32
        %dma_start3A_179 = tpu.memref_slice %arg7[%add3A_177, %dma_start3A_178] : memref<512x64xf32, #tpu.memory_space<vmem>> -> memref<1x64xf32, #tpu.memory_space<vmem>>
        %dma_start3A_180 = arith.constant 0 : i32
        %dma_start3A_181 = tpu.memref_slice %arg3[%get3A_172, %dma_start3A_180] : memref<1000001x64xf32, #tpu.memory_space<hbm>> -> memref<1x64xf32, #tpu.memory_space<hbm>>
        %dma_start3A_182 = arith.constant 0 : i32
        %dma_start3A_183 = tpu.memref_slice %arg7[%add3A_177, %dma_start3A_182] : memref<512x64xf32, #tpu.memory_space<vmem>> -> memref<1x64xf32, #tpu.memory_space<vmem>>
        %dma_start3A_184 = arith.constant 0 : i32
        %dma_start3A_185 = tpu.memref_slice %arg3[%get3A_172, %dma_start3A_184] : memref<1000001x64xf32, #tpu.memory_space<hbm>> -> memref<1x64xf32, #tpu.memory_space<hbm>>
        tpu.enqueue_dma source(%dma_start3A_185 : memref<1x64xf32, #tpu.memory_space<hbm>>) target(%dma_start3A_183 : memref<1x64xf32, #tpu.memory_space<vmem>>) target_semaphore(%arg8 : memref<!tpu.dma_semaphore, #tpu.memory_space<semaphore_mem>>)
      }
      %scan3A_169 = arith.constant 128 : i32
    }
    %scan3A_77 = arith.constant 2 : i32
    %dma_wait3A_78 = arith.constant 0 : i32
    %dma_wait3A_79 = arith.constant 0 : i32
    %dma_wait3A_80 = tpu.memref_slice %arg7[%dma_wait3A_78, %dma_wait3A_79] : memref<512x64xf32, #tpu.memory_space<vmem>> -> memref<256x64xf32, #tpu.memory_space<vmem>>
    %dma_wait3A_81 = arith.constant 0 : i32
    %dma_wait3A_82 = arith.constant 0 : i32
    %dma_wait3A_83 = tpu.memref_slice %arg3[%dma_wait3A_81, %dma_wait3A_82] : memref<1000001x64xf32, #tpu.memory_space<hbm>> -> memref<256x64xf32, #tpu.memory_space<hbm>>
    %dma_wait3A_84 = arith.constant 0 : i32
    %dma_wait3A_85 = arith.constant 0 : i32
    %dma_wait3A_86 = tpu.memref_slice %arg7[%dma_wait3A_84, %dma_wait3A_85] : memref<512x64xf32, #tpu.memory_space<vmem>> -> memref<256x64xf32, #tpu.memory_space<vmem>>
    %dma_wait3A_87 = arith.constant 0 : i32
    %dma_wait3A_88 = arith.constant 0 : i32
    %dma_wait3A_89 = tpu.memref_slice %arg3[%dma_wait3A_87, %dma_wait3A_88] : memref<1000001x64xf32, #tpu.memory_space<hbm>> -> memref<256x64xf32, #tpu.memory_space<hbm>>
    tpu.wait_dma2 semaphore(%arg8 : memref<!tpu.dma_semaphore, #tpu.memory_space<semaphore_mem>>) src(%dma_wait3A_89 : memref<256x64xf32, #tpu.memory_space<hbm>>) dst(%dma_wait3A_86 : memref<256x64xf32, #tpu.memory_space<vmem>>)
    %add3A_90 = arith.constant 512 : i32
    %add3A_91 = arith.addi %mul3A_2, %add3A_90 : i32
    %dma_start3A_92 = arith.constant 0 : i32
    %dma_start3A_93 = arith.constant 0 : i32
    %dma_start3A_94 = tpu.memref_slice %arg7[%dma_start3A_92, %dma_start3A_93] : memref<512x64xf32, #tpu.memory_space<vmem>> -> memref<256x64xf32, #tpu.memory_space<vmem>>
    %dma_start3A_95 = arith.constant 0 : i32
    %dma_start3A_96 = tpu.memref_slice %arg4[%add3A_91, %dma_start3A_95] : memref<32768x64xf32, #tpu.memory_space<hbm>> -> memref<256x64xf32, #tpu.memory_space<hbm>>
    %dma_start3A_97 = arith.constant 0 : i32
    %dma_start3A_98 = tpu.memref_slice %arg4[%add3A_91, %dma_start3A_97] : memref<32768x64xf32, #tpu.memory_space<hbm>> -> memref<256x64xf32, #tpu.memory_space<hbm>>
    %dma_start3A_99 = arith.constant 0 : i32
    %dma_start3A_100 = arith.constant 0 : i32
    %dma_start3A_101 = tpu.memref_slice %arg7[%dma_start3A_99, %dma_start3A_100] : memref<512x64xf32, #tpu.memory_space<vmem>> -> memref<256x64xf32, #tpu.memory_space<vmem>>
    tpu.enqueue_dma source(%dma_start3A_101 : memref<256x64xf32, #tpu.memory_space<vmem>>) target(%dma_start3A_98 : memref<256x64xf32, #tpu.memory_space<hbm>>) target_semaphore(%arg9 : memref<!tpu.dma_semaphore, #tpu.memory_space<semaphore_mem>>)
    %dma_wait3A_102 = arith.constant 256 : i32
    %dma_wait3A_103 = arith.constant 0 : i32
    %dma_wait3A_104 = tpu.memref_slice %arg7[%dma_wait3A_102, %dma_wait3A_103] : memref<512x64xf32, #tpu.memory_space<vmem>> -> memref<256x64xf32, #tpu.memory_space<vmem>>
    %dma_wait3A_105 = arith.constant 0 : i32
    %dma_wait3A_106 = tpu.memref_slice %arg4[%add3A_51, %dma_wait3A_105] : memref<32768x64xf32, #tpu.memory_space<hbm>> -> memref<256x64xf32, #tpu.memory_space<hbm>>
    %dma_wait3A_107 = arith.constant 0 : i32
    %dma_wait3A_108 = tpu.memref_slice %arg4[%add3A_51, %dma_wait3A_107] : memref<32768x64xf32, #tpu.memory_space<hbm>> -> memref<256x64xf32, #tpu.memory_space<hbm>>
    %dma_wait3A_109 = arith.constant 256 : i32
    %dma_wait3A_110 = arith.constant 0 : i32
    %dma_wait3A_111 = tpu.memref_slice %arg7[%dma_wait3A_109, %dma_wait3A_110] : memref<512x64xf32, #tpu.memory_space<vmem>> -> memref<256x64xf32, #tpu.memory_space<vmem>>
    tpu.wait_dma2 semaphore(%arg9 : memref<!tpu.dma_semaphore, #tpu.memory_space<semaphore_mem>>) src(%dma_wait3A_111 : memref<256x64xf32, #tpu.memory_space<vmem>>) dst(%dma_wait3A_108 : memref<256x64xf32, #tpu.memory_space<hbm>>)
    %scan3A_112 = arith.constant 0 : i32
    %scan3A_113 = arith.constant 0 : i32
    %scan3A_114 = arith.constant 2 : i32
    %scan3A_115 = arith.addi %scan3A_113, %scan3A_114 : i32
    %scan3A_116 = arith.constant 1 : i32
    scf.for %scan3A_162 = %scan3A_113 to %scan3A_115 step %scan3A_116  : i32 {
      %add3A_163 = arith.constant 6 : i32
      %add3A_164 = arith.addi %add3A_163, %scan3A_162 : i32
      %scan3A_165 = arith.constant 0 : i32
      %scan3A_166 = arith.constant 128 : i32
      %scan3A_167 = arith.addi %scan3A_165, %scan3A_166 : i32
      %scan3A_168 = arith.constant 1 : i32
      scf.for %scan3A_170 = %scan3A_165 to %scan3A_167 step %scan3A_168  : i32 {
        %get3A = arith.index_cast %add3A_164 : i32 to index
        %get3A_171 = arith.index_cast %scan3A_170 : i32 to index
        %get3A_172 = memref.load %arg6[%get3A, %get3A_171] : memref<8x128xi32, #tpu.memory_space<smem>>
        %mul3A_173 = arith.constant 128 : i32
        %mul3A_174 = arith.muli %scan3A_162, %mul3A_173 : i32
        %add3A_175 = arith.constant 256 : i32
        %add3A_176 = arith.addi %add3A_175, %mul3A_174 : i32
        %add3A_177 = arith.addi %add3A_176, %scan3A_170 : i32
        %dma_start3A_178 = arith.constant 0 : i32
        %dma_start3A_179 = tpu.memref_slice %arg7[%add3A_177, %dma_start3A_178] : memref<512x64xf32, #tpu.memory_space<vmem>> -> memref<1x64xf32, #tpu.memory_space<vmem>>
        %dma_start3A_180 = arith.constant 0 : i32
        %dma_start3A_181 = tpu.memref_slice %arg3[%get3A_172, %dma_start3A_180] : memref<1000001x64xf32, #tpu.memory_space<hbm>> -> memref<1x64xf32, #tpu.memory_space<hbm>>
        %dma_start3A_182 = arith.constant 0 : i32
        %dma_start3A_183 = tpu.memref_slice %arg7[%add3A_177, %dma_start3A_182] : memref<512x64xf32, #tpu.memory_space<vmem>> -> memref<1x64xf32, #tpu.memory_space<vmem>>
        %dma_start3A_184 = arith.constant 0 : i32
        %dma_start3A_185 = tpu.memref_slice %arg3[%get3A_172, %dma_start3A_184] : memref<1000001x64xf32, #tpu.memory_space<hbm>> -> memref<1x64xf32, #tpu.memory_space<hbm>>
        tpu.enqueue_dma source(%dma_start3A_185 : memref<1x64xf32, #tpu.memory_space<hbm>>) target(%dma_start3A_183 : memref<1x64xf32, #tpu.memory_space<vmem>>) target_semaphore(%arg8 : memref<!tpu.dma_semaphore, #tpu.memory_space<semaphore_mem>>)
      }
      %scan3A_169 = arith.constant 128 : i32
    }
    %scan3A_117 = arith.constant 2 : i32
    %dma_wait3A_118 = arith.constant 256 : i32
    %dma_wait3A_119 = arith.constant 0 : i32
    %dma_wait3A_120 = tpu.memref_slice %arg7[%dma_wait3A_118, %dma_wait3A_119] : memref<512x64xf32, #tpu.memory_space<vmem>> -> memref<256x64xf32, #tpu.memory_space<vmem>>
    %dma_wait3A_121 = arith.constant 0 : i32
    %dma_wait3A_122 = arith.constant 0 : i32
    %dma_wait3A_123 = tpu.memref_slice %arg3[%dma_wait3A_121, %dma_wait3A_122] : memref<1000001x64xf32, #tpu.memory_space<hbm>> -> memref<256x64xf32, #tpu.memory_space<hbm>>
    %dma_wait3A_124 = arith.constant 256 : i32
    %dma_wait3A_125 = arith.constant 0 : i32
    %dma_wait3A_126 = tpu.memref_slice %arg7[%dma_wait3A_124, %dma_wait3A_125] : memref<512x64xf32, #tpu.memory_space<vmem>> -> memref<256x64xf32, #tpu.memory_space<vmem>>
    %dma_wait3A_127 = arith.constant 0 : i32
    %dma_wait3A_128 = arith.constant 0 : i32
    %dma_wait3A_129 = tpu.memref_slice %arg3[%dma_wait3A_127, %dma_wait3A_128] : memref<1000001x64xf32, #tpu.memory_space<hbm>> -> memref<256x64xf32, #tpu.memory_space<hbm>>
    tpu.wait_dma2 semaphore(%arg8 : memref<!tpu.dma_semaphore, #tpu.memory_space<semaphore_mem>>) src(%dma_wait3A_129 : memref<256x64xf32, #tpu.memory_space<hbm>>) dst(%dma_wait3A_126 : memref<256x64xf32, #tpu.memory_space<vmem>>)
    %add3A_130 = arith.constant 768 : i32
    %add3A_131 = arith.addi %mul3A_2, %add3A_130 : i32
    %dma_start3A_132 = arith.constant 256 : i32
    %dma_start3A_133 = arith.constant 0 : i32
    %dma_start3A_134 = tpu.memref_slice %arg7[%dma_start3A_132, %dma_start3A_133] : memref<512x64xf32, #tpu.memory_space<vmem>> -> memref<256x64xf32, #tpu.memory_space<vmem>>
    %dma_start3A_135 = arith.constant 0 : i32
    %dma_start3A_136 = tpu.memref_slice %arg4[%add3A_131, %dma_start3A_135] : memref<32768x64xf32, #tpu.memory_space<hbm>> -> memref<256x64xf32, #tpu.memory_space<hbm>>
    %dma_start3A_137 = arith.constant 0 : i32
    %dma_start3A_138 = tpu.memref_slice %arg4[%add3A_131, %dma_start3A_137] : memref<32768x64xf32, #tpu.memory_space<hbm>> -> memref<256x64xf32, #tpu.memory_space<hbm>>
    %dma_start3A_139 = arith.constant 256 : i32
    %dma_start3A_140 = arith.constant 0 : i32
    %dma_start3A_141 = tpu.memref_slice %arg7[%dma_start3A_139, %dma_start3A_140] : memref<512x64xf32, #tpu.memory_space<vmem>> -> memref<256x64xf32, #tpu.memory_space<vmem>>
    tpu.enqueue_dma source(%dma_start3A_141 : memref<256x64xf32, #tpu.memory_space<vmem>>) target(%dma_start3A_138 : memref<256x64xf32, #tpu.memory_space<hbm>>) target_semaphore(%arg9 : memref<!tpu.dma_semaphore, #tpu.memory_space<semaphore_mem>>)
    %dma_wait3A_142 = arith.constant 0 : i32
    %dma_wait3A_143 = arith.constant 0 : i32
    %dma_wait3A_144 = tpu.memref_slice %arg7[%dma_wait3A_142, %dma_wait3A_143] : memref<512x64xf32, #tpu.memory_space<vmem>> -> memref<256x64xf32, #tpu.memory_space<vmem>>
    %dma_wait3A_145 = arith.constant 0 : i32
    %dma_wait3A_146 = tpu.memref_slice %arg4[%add3A_91, %dma_wait3A_145] : memref<32768x64xf32, #tpu.memory_space<hbm>> -> memref<256x64xf32, #tpu.memory_space<hbm>>
    %dma_wait3A_147 = arith.constant 0 : i32
    %dma_wait3A_148 = tpu.memref_slice %arg4[%add3A_91, %dma_wait3A_147] : memref<32768x64xf32, #tpu.memory_space<hbm>> -> memref<256x64xf32, #tpu.memory_space<hbm>>
    %dma_wait3A_149 = arith.constant 0 : i32
    %dma_wait3A_150 = arith.constant 0 : i32
    %dma_wait3A_151 = tpu.memref_slice %arg7[%dma_wait3A_149, %dma_wait3A_150] : memref<512x64xf32, #tpu.memory_space<vmem>> -> memref<256x64xf32, #tpu.memory_space<vmem>>
    tpu.wait_dma2 semaphore(%arg9 : memref<!tpu.dma_semaphore, #tpu.memory_space<semaphore_mem>>) src(%dma_wait3A_151 : memref<256x64xf32, #tpu.memory_space<vmem>>) dst(%dma_wait3A_148 : memref<256x64xf32, #tpu.memory_space<hbm>>)
    %dma_wait3A_152 = arith.constant 256 : i32
    %dma_wait3A_153 = arith.constant 0 : i32
    %dma_wait3A_154 = tpu.memref_slice %arg7[%dma_wait3A_152, %dma_wait3A_153] : memref<512x64xf32, #tpu.memory_space<vmem>> -> memref<256x64xf32, #tpu.memory_space<vmem>>
    %dma_wait3A_155 = arith.constant 0 : i32
    %dma_wait3A_156 = tpu.memref_slice %arg4[%add3A_131, %dma_wait3A_155] : memref<32768x64xf32, #tpu.memory_space<hbm>> -> memref<256x64xf32, #tpu.memory_space<hbm>>
    %dma_wait3A_157 = arith.constant 0 : i32
    %dma_wait3A_158 = tpu.memref_slice %arg4[%add3A_131, %dma_wait3A_157] : memref<32768x64xf32, #tpu.memory_space<hbm>> -> memref<256x64xf32, #tpu.memory_space<hbm>>
    %dma_wait3A_159 = arith.constant 256 : i32
    %dma_wait3A_160 = arith.constant 0 : i32
    %dma_wait3A_161 = tpu.memref_slice %arg7[%dma_wait3A_159, %dma_wait3A_160] : memref<512x64xf32, #tpu.memory_space<vmem>> -> memref<256x64xf32, #tpu.memory_space<vmem>>
    tpu.wait_dma2 semaphore(%arg9 : memref<!tpu.dma_semaphore, #tpu.memory_space<semaphore_mem>>) src(%dma_wait3A_161 : memref<256x64xf32, #tpu.memory_space<vmem>>) dst(%dma_wait3A_158 : memref<256x64xf32, #tpu.memory_space<hbm>>)
    return
  }
}

module attributes {stable_mosaic.version = 14 : i64} {
  func.func @_mlp_body(%arg0: i32, %arg1: memref<2048x128xf32, #tpu.memory_space<vmem>>, %arg2: memref<128x128xf32, #tpu.memory_space<vmem>>, %arg3: memref<1x128xf32, #tpu.memory_space<vmem>>, %arg4: memref<128x1xf32, #tpu.memory_space<vmem>>, %arg5: memref<1x1xf32, #tpu.memory_space<vmem>>, %arg6: memref<2048x1xf32, #tpu.memory_space<vmem>>) attributes {dimension_semantics = [#tpu.dimension_semantics<arbitrary>], iteration_bounds = array<i64: 8>, scalar_prefetch = 0 : i64, scratch_operands = 0 : i64, tpu.core_type = #tpu.core_type<tc>, window_params = [{transform_indices = @transform_0, window_bounds = array<i64: 2048, 128>}, {pipeline_mode = #tpu.pipeline_mode<synchronous>, transform_indices = @transform_1, window_bounds = array<i64: 128, 128>}, {pipeline_mode = #tpu.pipeline_mode<synchronous>, transform_indices = @transform_2, window_bounds = array<i64: 1, 128>}, {pipeline_mode = #tpu.pipeline_mode<synchronous>, transform_indices = @transform_3, window_bounds = array<i64: 128, 1>}, {pipeline_mode = #tpu.pipeline_mode<synchronous>, transform_indices = @transform_4, window_bounds = array<i64: 1, 1>}, {transform_indices = @transform_5, window_bounds = array<i64: 2048, 1>}]} {
    %get3A = arith.constant 0 : index
    %get3A_0 = arith.constant 0 : index
    %get3A_1 = vector.load %arg1[%get3A, %get3A_0] : memref<2048x128xf32, #tpu.memory_space<vmem>>, vector<2048x128xf32>
    %get3A_2 = arith.constant 0 : index
    %get3A_3 = arith.constant 0 : index
    %get3A_4 = vector.load %arg2[%get3A_2, %get3A_3] : memref<128x128xf32, #tpu.memory_space<vmem>>, vector<128x128xf32>
    %dot_general3A = arith.constant dense<0.000000e+00> : vector<2048x128xf32>
    %dot_general3A_5 = tpu.matmul %get3A_1, %get3A_4, %dot_general3A {dimension_numbers = #tpu.dot_dimension_numbers<[1], [0], [0], [1], [0, 0, 1, 1], [], []>, transpose_lhs_hint = false} : vector<2048x128xf32>, vector<128x128xf32>, vector<2048x128xf32> -> vector<2048x128xf32>
    %get3A_6 = arith.constant 0 : index
    %get3A_7 = arith.constant 0 : index
    %get3A_8 = vector.load %arg3[%get3A_6, %get3A_7] : memref<1x128xf32, #tpu.memory_space<vmem>>, vector<1x128xf32>
    %add3A = vector.broadcast %get3A_8 : vector<1x128xf32> to vector<2048x128xf32>
    %add3A_9 = arith.addf %dot_general3A_5, %add3A : vector<2048x128xf32>
    %max3A = arith.constant 0.000000e+00 : f32
    %max3A_10 = vector.broadcast %max3A : f32 to vector<2048x128xf32>
    %max3A_11 = arith.maximumf %add3A_9, %max3A_10 : vector<2048x128xf32>
    %get3A_12 = arith.constant 0 : index
    %get3A_13 = arith.constant 0 : index
    %get3A_14 = vector.load %arg4[%get3A_12, %get3A_13] : memref<128x1xf32, #tpu.memory_space<vmem>>, vector<128x1xf32>
    %dot_general3A_15 = arith.constant dense<0.000000e+00> : vector<2048x1xf32>
    %dot_general3A_16 = tpu.matmul %max3A_11, %get3A_14, %dot_general3A_15 {dimension_numbers = #tpu.dot_dimension_numbers<[1], [0], [0], [1], [0, 0, 1, 1], [], []>, transpose_lhs_hint = false} : vector<2048x128xf32>, vector<128x1xf32>, vector<2048x1xf32> -> vector<2048x1xf32>
    %get3A_17 = arith.constant 0 : index
    %get3A_18 = arith.constant 0 : index
    %get3A_19 = vector.load %arg5[%get3A_17, %get3A_18] : memref<1x1xf32, #tpu.memory_space<vmem>>, vector<1x1xf32>
    %add3A_20 = vector.broadcast %get3A_19 : vector<1x1xf32> to vector<2048x1xf32>
    %add3A_21 = arith.addf %dot_general3A_16, %add3A_20 : vector<2048x1xf32>
    %logistic3A = arith.negf %add3A_21 : vector<2048x1xf32>
    %logistic3A_22 = math.exp %logistic3A : vector<2048x1xf32>
    %logistic3A_23 = arith.constant 1.000000e+00 : f32
    %logistic3A_24 = vector.broadcast %logistic3A_23 : f32 to vector<2048x1xf32>
    %logistic3A_25 = arith.addf %logistic3A_24, %logistic3A_22 : vector<2048x1xf32>
    %logistic3A_26 = arith.divf %logistic3A_24, %logistic3A_25 : vector<2048x1xf32>
    %swap3A = arith.constant 0 : index
    %swap3A_27 = arith.constant 0 : index
    %swap3A_28 = vector.load %arg6[%swap3A, %swap3A_27] : memref<2048x1xf32, #tpu.memory_space<vmem>>, vector<2048x1xf32>
    tpu.vector_store %arg6[%swap3A, %swap3A_27], %logistic3A_26 {strides = array<i32>} : memref<2048x1xf32, #tpu.memory_space<vmem>>, vector<2048x1xf32>,
    return
  }
  func.func @transform_0(%arg0: i32) -> (i32, i32) {
    %c0_i32 = arith.constant 0 : i32
    %c0_i32_0 = arith.constant 0 : i32
    return %arg0, %c0_i32 : i32, i32
  }
  func.func @transform_1(%arg0: i32) -> (i32, i32) {
    %c0_i32 = arith.constant 0 : i32
    %c0_i32_0 = arith.constant 0 : i32
    %c0_i32_1 = arith.constant 0 : i32
    return %c0_i32, %c0_i32_0 : i32, i32
  }
  func.func @transform_2(%arg0: i32) -> (i32, i32) {
    %c0_i32 = arith.constant 0 : i32
    %c0_i32_0 = arith.constant 0 : i32
    %c0_i32_1 = arith.constant 0 : i32
    return %c0_i32, %c0_i32_0 : i32, i32
  }
  func.func @transform_3(%arg0: i32) -> (i32, i32) {
    %c0_i32 = arith.constant 0 : i32
    %c0_i32_0 = arith.constant 0 : i32
    %c0_i32_1 = arith.constant 0 : i32
    return %c0_i32, %c0_i32_0 : i32, i32
  }
  func.func @transform_4(%arg0: i32) -> (i32, i32) {
    %c0_i32 = arith.constant 0 : i32
    %c0_i32_0 = arith.constant 0 : i32
    %c0_i32_1 = arith.constant 0 : i32
    return %c0_i32, %c0_i32_0 : i32, i32
  }
  func.func @transform_5(%arg0: i32) -> (i32, i32) {
    %c0_i32 = arith.constant 0 : i32
    %c0_i32_0 = arith.constant 0 : i32
    return %arg0, %c0_i32 : i32, i32
  }
}

</mosaic_0001>

<sc_bundles>
// kernel: kernel.4.cloned.1.call-start
scs
__scs_entry_jumppad:
0x0: {  	(pc) =	sbr.rel $0x88, $3  }
0x1: {  	(tag) =	ssettag $0x0;
	lr =	simm.s32 $0x1  }
0x2: {  	[smem:$0x3F9B] =	sst lr;
	_ =	strace $0xD0000000  }
0x3: {  	_ = 	snop  }
0x4: {  	_ = 	snop  }
0x5: {  	_ = 	snop  }
0x6: {  	_ = 	snop  }
0x7: {  	_ = 	snop  }
__scs_overlays_trampoline_lowered:
0x8: {  	[smem:$0x3FAA] =	sst s0  }
0x9: {  	[smem:$0x3FAB] =	sst s1  }
0xa: {  	[smem:$0x3FAC] =	sst s2  }
0xb: {  	[smem:$0x3FAD] =	sst s3  }
0xc: {  	[smem:$0x3FAE] =	sst s4  }
0xd: {  	[smem:$0x3FAF] =	sst s5  }
0xe: {  	[smem:$0x3FB0] =	sst s6  }
0xf: {  	[smem:$0x3FB1] =	sst s7  }
0x10: {  	[smem:$0x3FB2] =	sst s8  }
0x11: {  	[smem:$0x3FB3] =	sst s9;
	s0 =	simm.s32 @!p0 $0x0  }
0x12: {  	s1 =	sld [smem:$0x3F99];
	s0 =	simm.s32 @p0 $0x1  }
0x13: {  	[smem:$0x3FB4] =	sst s0;
	s0 =	simm.s32 @!p1 $0x0  }
0x14: {  	s2 =	sld [smem:$0x3F98];
	s0 =	simm.s32 @p1 $0x1  }
0x15: {  	[smem:$0x3FB5] =	sst s0;
	s0 =	simm.s32 @!p2 $0x0  }
0x16: {  	s3 =	sld [smem:$0x3FDB];
	s0 =	simm.s32 @p2 $0x1  }
0x17: {  	s4 =	simm.s32 $0x1BF5;
	[smem:$0x3FB7] =	sst s0  }
0x18: {  	s0 =	sld [smem:$0x3F9A];
	_ =	swait.ge [sflag:s4], $0x0  }
0x19: {  	s7 =	sld [smem:$0x3F9B]  }
0x1a: {  	s8 =	sadd.s32 $0xFFFFE003, lr  }
0x1b: {  	s9 =	sadd.s32 $0xFFFFFEF7, lr;
	s5 =	simm.s32 $0xFFFFFFFF;
	p2 =	slt.u32 s8, $0xFFFFF086  }
0x1c: {  	p1 =	slt.u32 s9, $0xF7A;
	s5 =	simm.s32 @!p2 $0x0  }
0x1d: {  	s5 =	simm.s32 @p1 $0x1;
	p0 =	seq.s32 s7, s2  }
0x1e: {  	s7 =	smul.u32 @!p0 $0xF7A, s2;
	p2 =	seq.s32 @!p0 s5, $0x0  }
0x1f: {  	s9 =	smul.u32 $0xF7A, s1;
	s8 =	simm.s32 @!p0 $0x1BF5;
	p2 =	por !p2, p0  }
0x20: {  	[sflag:s8] =	ssyncset.s32 @!p0 $0xFFFFF086;
	s6 =	sadd.s32 @!p0 s3, s7;
	s7 =	simm.s32 @!p0 $0x108  }
0x21: {  	s3 =	sadd.s32 s3, s9;
	s6 =	sadd.s32 @!p0 $0x88, s6;
	s7 =	simm.s32 @p2 $0x1082  }
0x22: {  	[simem:s7], [sflag:s8] =	dma.local @!p0 [hbm:s6], $0xF7A  }
0x23: {  	s9 =	sor.u32 $0xD0000000, s2;
	s6 =	simm.s32 $0x108;
	_ =	swait.ge @!p0 [sflag:s8], $0x0  }
0x24: {  	s3 =	sadd.s32 $0x88, s3;
	s6 =	simm.s32 @!p1 $0x1082;
	[sflag:s4] =	ssyncset.s32 $0xFFFFF086  }
0x25: {  	[simem:s6], [sflag:s4] =	dma.local [hbm:s3], $0xF7A  }
0x26: {  	[smem:$0x3F9B] =	sst s1;
	(tag) =	ssettag s2;
	_ =	strace s9  }
0x27: {  	s1 =	sld [smem:$0x3FAB]  }
0x28: {  	s2 =	sld [smem:$0x3FAC]  }
0x29: {  	s4 =	sld [smem:$0x3FAE]  }
0x2a: {  	p0 =	seq.s32 s5, $0x0;
	s5 =	sld [smem:$0x3FAF]  }
0x2b: {  	s6 =	sld [smem:$0x3FB0]  }
0x2c: {  	s7 =	sld [smem:$0x3FB1]  }
0x2d: {  	s3 =	simm.s32 $0x108;
	s8 =	sld [smem:$0x3FB2]  }
0x2e: {  	s3 =	simm.s32 @!p0 $0x1082;
	s9 =	sld [smem:$0x3FB3]  }
0x2f: {  	lr =	sadd.s32 s0, s3;
	s0 =	sld [smem:$0x3FAA]  }
0x30: {  	s3 =	sld [smem:$0x3FAD]  }
0x31: {  	[smem:$0x3FB6] =	sst s10  }
0x32: {  	s10 =	sld [smem:$0x3FB4];
	_ =	sdelay $0x3  }
0x33: {  	p0 =	seq.s32 s10, $0x1;
	s10 =	sld [smem:$0x3FB6];
	_ =	sdelay $0x3  }
0x34: {  	[smem:$0x3FB6] =	sst s10  }
0x35: {  	s10 =	sld [smem:$0x3FB5];
	_ =	sdelay $0x3  }
0x36: {  	p1 =	seq.s32 s10, $0x1;
	s10 =	sld [smem:$0x3FB6];
	_ =	sdelay $0x3  }
0x37: {  	[smem:$0x3FB6] =	sst s10  }
0x38: {  	s10 =	sld [smem:$0x3FB7]  }
0x39: {  	_ = 	snop;
	(pc) =	sbr.ind lr, $3  }
0x3a: {  	_ = 	snop  }
0x3b: {  	_ = 	snop  }
0x3c: {  	p2 =	seq.s32 s10, $0x1;
	s10 =	sld [smem:$0x3FB6]  }
0x3d: {  	_ =	shalt  }
0x3e: {  	_ =	shalt  }
0x3f: {  	_ =	shalt  }
0x40: {  	_ =	shalt  }
0x41: {  	_ =	shalt  }
0x42: {  	_ =	shalt  }
0x43: {  	_ =	shalt  }
0x44: {  	_ =	shalt  }
0x45: {  	_ =	shalt  }
0x46: {  	_ =	shalt  }
0x47: {  	_ =	shalt  }
0x48: {  	_ =	shalt  }
0x49: {  	_ =	shalt  }
0x4a: {  	_ =	shalt  }
0x4b: {  	_ =	shalt  }
0x4c: {  	_ =	shalt  }
0x4d: {  	_ =	shalt  }
0x4e: {  	_ =	shalt  }
0x4f: {  	_ =	shalt  }
0x50: {  	_ =	shalt  }
0x51: {  	_ =	shalt  }
0x52: {  	_ =	shalt  }
0x53: {  	_ =	shalt  }
0x54: {  	_ =	shalt  }
0x55: {  	_ =	shalt  }
0x56: {  	_ =	shalt  }
0x57: {  	_ =	shalt  }
0x58: {  	_ =	shalt  }
0x59: {  	_ =	shalt  }
0x5a: {  	_ =	shalt  }
0x5b: {  	_ =	shalt  }
0x5c: {  	_ =	shalt  }
0x5d: {  	_ =	shalt  }
0x5e: {  	_ =	shalt  }
0x5f: {  	_ =	shalt  }
0x60: {  	_ =	shalt  }
0x61: {  	_ =	shalt  }
0x62: {  	_ =	shalt  }
0x63: {  	_ =	shalt  }
0x64: {  	_ =	shalt  }
0x65: {  	_ =	shalt  }
0x66: {  	_ =	shalt  }
0x67: {  	_ =	shalt  }
0x68: {  	_ =	shalt  }
0x69: {  	_ =	shalt  }
0x6a: {  	_ =	shalt  }
0x6b: {  	_ =	shalt  }
0x6c: {  	_ =	shalt  }
0x6d: {  	_ =	shalt  }
0x6e: {  	_ =	shalt  }
0x6f: {  	_ =	shalt  }
0x70: {  	_ =	shalt  }
0x71: {  	_ =	shalt  }
0x72: {  	_ =	shalt  }
0x73: {  	_ =	shalt  }
0x74: {  	_ =	shalt  }
0x75: {  	_ =	shalt  }
0x76: {  	_ =	shalt  }
0x77: {  	_ =	shalt  }
0x78: {  	_ =	shalt  }
0x79: {  	_ =	shalt  }
0x7a: {  	_ =	shalt  }
0x7b: {  	_ =	shalt  }
0x7c: {  	_ =	shalt  }
0x7d: {  	_ =	shalt  }
0x7e: {  	_ =	shalt  }
0x7f: {  	_ =	shalt  }
0x80: {  	_ =	shalt  }
0x81: {  	_ =	shalt  }
0x82: {  	_ =	shalt  }
0x83: {  	_ =	shalt  }
0x84: {  	_ =	shalt  }
0x85: {  	_ =	shalt  }
0x86: {  	_ =	shalt  }
0x87: {  	_ =	shalt  }
.Lfunc_end0:
.L_simem_size_0:
called_computation_lowered:
.L_overlay_start_0:
0x88: {  	s2 =	sld [smem:$0x3FD9]  }
0x89: {  	s3 =	sld [smem:$0x3FFE];
	_ =	sdelay $0x1  }
0x8a: {  	s1 =	srdreg.scid  }
0x8b: {  	s0 =	sand.u32 $0x1, s1  }
0x8c: {  	s16 =	sshll.u32 s0, $0xA;
	s2 =	sadd.s32 s3, s2  }
0x8d: {  	s2 =	sadd.s32 s2, s16  }
0x8e: {  	[smem:$0x3FC2] =	sst s2  }
0x8f: {  	_ = 	snop  }
0x90: {  	(tm) =	ssettm $0x1  }
0x91: {  	s17 =	sld [smem:$0x3FFB];
	_ =	sdelay $0x3  }
0x92: {  	_ =	strace s17  }
0x93: {  	s2 =	sld [smem:$0x3FFC];
	_ =	sdelay $0x3  }
0x94: {  	_ =	strace s2  }
0x95: {  	s2 =	sld [smem:$0x3FFD];
	_ =	sdelay $0x3  }
0x96: {  	_ =	strace s2  }
0x97: {  	_ =	strace $0x8FFFFFFF  }
0x98: {  	s18 =	sld [smem:$0x3FDB];
	_ =	sdelay $0x1  }
0x99: {  	s19 =	simm.s32 $_scs_section_size  }
0x9a: {  	s4 =	simm.s32 $_size__tile_overlayer_lowered;
	s5 =	simm.s32 $_tile_overlayer_lowered  }
0x9b: {  	s22 =	simm.s32 $0x1BFF;
	s21 =	sshll.u32 s5, $0x1;
	s2 =	sadd.s32 s19, s18  }
0x9c: {  	s6 =	simm.s32 $0x0;
	s20 =	sshll.u32 s4, $0x1;
	s4 =	sadd.s32 s21, s2  }
0x9d: {  	[timem:s6], [sflag:s22] =	dma.local [hbm:s4], s20  }
0x9e: {  	_ =	swait.ge [sflag:s22], s20  }
0x9f: {  	s3 =	ssub.s32 $0x0, s20;
	[sflag:s22] =	ssyncset.done $0x0  }
0xa0: {  	[sflag:s22] =	ssyncadd.s32 s3;
	_ =	sdelay $0x1  }
0xa1: {  	s23 =	simm.s32 $0x1B8B  }
0xa2: {  	_ =	swait.ge [sflag:s23], $0x1  }
0xa3: {  	[sflag:s23] =	ssyncset.done $0x0  }
0xa4: {  	s25 =	simm.s32 $0x1B8E;
	s24 =	sld [smem:$0x3FFE];
	[sflag:s23] =	ssyncadd.s32 $0xFFFFFFFF  }
0xa5: {  	s26 =	simm.s32 $execute0_lowered;
	[smem:$0x3FD2] =	sst s25  }
0xa6: {  	s4 =	sshll.u32 s26, $0x1;
	_ =	strace $0x80000046;
	[dreg:$0x1] =	wrdreg $0xFFFFFFFF  }
0xa7: {  	s28 =	simm.s32 $_size_execute0_lowered;
	s2 =	sadd.s32 s2, s4;
	[dreg:$0x0] =	wrdreg $0x0  }
0xa8: {  	s4 =	sshll.u32 s28, $0x1;
	[dreg:$0x2] =	wrdreg s2  }
0xa9: {  	[dreg:$0x3] =	wrdreg s4  }
0xaa: {  	[dreg:$0x4] =	wrdreg $0xC0  }
0xab: {  	_ =	task [dreg:s6], $0x5FFFF  }
0xac: {  	[dreg:$0x1] =	wrdreg $0xFFFFFFFF  }
0xad: {  	[dreg:$0x0] =	wrdreg $0x60  }
0xae: {  	[dreg:$0x2] =	wrdreg s24  }
0xaf: {  	[dreg:$0x3] =	wrdreg $0x0  }
0xb0: {  	[dreg:$0x4] =	wrdreg $0x9  }
0xb1: {  	_ =	task.clear_ibuf [dreg:s6], $0x5FFFF;
	_ =	strace $0x90000046  }
0xb2: {  	s29 =	simm.s32 $0x9;
	_ =	strace $0x80000048  }
0xb3: {  	_ =	swait.ge [sflag:s29], $0x1  }
0xb4: {  	[sflag:s29] =	ssyncadd.s32 $0xFFFFFFFF  }
0xb5: {  	_ =	strace $0x90000048  }
0xb6: {  	_ =	sfence  }
0xb7: {  	s30 =	sld [smem:$0x0];
	_ =	sdelay $0x2  }
0xb8: {  	s31 =	sshll.u32 s1, $0xD;
	s1 =	sshrl.u32 s1, $0x2  }
0xb9: {  	s3 =	sand.u32 $0x4000, s31;
	s1 =	sadd.s32 s1, s30  }
0xba: {  	s0 =	sor.u32 s3, s0;
	s1 =	sshll.u32 s1, $0x11  }
0xbb: {  	s0 =	sor.u32 s1, s0  }
0xbc: {  	s0 =	sadd.s32 $0x8F2B, s0  }
0xbd: {  	[sflag:s0] =	ssyncadd.remote.s32 $0x1  }
0xbe: {  	_ =	sfence.sel $0xFFFF  }
0xbf: {  	[dreg:$0x0] =	wrdreg $0xFFFFFFFF;
	(pc) =	sbr.abs _section_cstart, $3  }
0xc0: {  	[dreg:$0x1] =	wrdreg $0xFFFFFFFF  }
0xc1: {  	_ =	task.clear_ibuf [dreg:s6], $0x2FFFF;
	_ =	strace $0x9FFFFFFF  }
0xc2: {  	(tm) =	ssettm $0x7FFFFFFF  }
0xc3: {  	_ =	shalt  }
tec
execute0_lowered:
.L_overlay_start_1:
0x0: {  	(tag) =	ssettag $0x1  }
0x1: {  	s4 =	rddreg [dreg:$0x0]  }
0x2: {  	s7 =	rddreg [dreg:$0x1]  }
0x3: {  	s0 =	rddreg [dreg:$0x2]  }
0x4: {  	s3 =	srdreg.scid;
	s1 =	stileid.u32;
	s2 =	simm.s32 $0x0  }
0x5: {  	s13 =	simm.s32 $0x3;
	s14 =	simm.s32 $0x1;
	s15 =	simm.s32 $0x400  }
0x6: {  	s16 =	simm.s32 $0x8400;
	s17 =	simm.s32 $0x2;
	s18 =	simm.s32 $0x0  }
0x7: {  	s3 =	sand.u32 $0x1, s3;
	s5 =	sshll.u32 s1, $0x1;
	[smem:$0x7FF] =	sst s2  }
0x8: {  	s30 =	sshll.u32 s1, $0x6;
	s31 =	sshll.u32 s1, $0xA;
	s5 =	sor.u32 s3, s5  }
0x9: {  	_ =	strace $0x80000047;
	s8 =	ssub.s32 $0x2, s3;
	s3 =	sadd.s32 $0xC00, s4  }
0xa: {  	s7 =	sadd.s32 s31, s7;
	s6 =	sshll.u32 s5, $0x7;
	s5 =	sshll.u32 s5, $0xE  }
0xb: {  	s29 =	sshrl.u32 s8, $0x1;
	s12 =	sshrl.u32 s7, $0x3;
	s6 =	sadd.s32 s6, s4  }
0xc: {  	s10 =	sadd.s32 s5, s4;
	s5 =	sor.u32 $0x1C03, s30;
	s4 =	sadd.s32 $0xF43200, s6  }
0xd: {  	s11 =	ssub.s32 s8, s29;
	s6 =	sadd.s32 $0xF44200, s10;
	s8 =	sadd.s32 $0xF45200, s10  }
0xe: {  	s9 =	sadd.s32 $0xF46200, s10;
	s10 =	sadd.s32 $0xF47200, s10;
	s11 =	smax.u32 s11, $0x1  }
.LBB2_1:
0xf: {  	[spmem:s12], [sflag:s5] =	dma.local [hbm:s4], $0x80  }
0x10: {  	_ =	swait.ge [sflag:s13], $0x80  }
0x11: {  	[sflag:s13] =	ssyncset.done $0x0  }
0x12: {  	[sflag:s13] =	ssyncadd.s32 $0xFFFFFF80  }
0x13: {  	[smem:s2], [sflag:$0x3] =	stream.linear.gather [spmem:s7], $0x400, $0x38;
	[tilespmem:$0x10400] =	vst v63  }
0x14: {  	_ =	swait.ge [sflag:s13], $0x400  }
0x15: {  	[sflag:s13] =	ssyncset.done $0x0  }
0x16: {  	[sflag:s13] =	ssyncadd.s32 $0xFFFFFC00  }
0x17: {  	s19 =	sld [smem:$0x0];
	_ =	sdelay $0x2  }
0x18: {  	s19 =	sshll.u32 s19, $0x4  }
0x19: {  	s19 =	sand.u32 $0x1FFFFFF0, s19  }
0x1a: {  	s20 =	sld [smem:$0x1];
	s19 =	sadd.s32 s3, s19  }
0x1b: {  	[tilespmem:s15], [sflag:$0x1] =	stream.linear.gather [hbm4b:s19+s2], $0x80, $0x38;
	[tilespmem:$0x10400] =	vst v63  }
0x1c: {  	s21 =	simm.s32 $0x8;
	s19 =	simm.s32 $0x400  }
.LBB2_2:
0x1d: {  	p0 =	sne.s32 s21, $0x1FC  }
.Ltmp0:
0x1e: {  	_ = 	snop;
	(pc) =	sbr.rel @p0 .LBB2_2-.Ltmp0, $4  }
0x1f: {  	s22 =	sshra.s32 s21, $0x2;
	s23 =	sshll.u32 s20, $0x4  }
0x20: {  	s19 =	sadd.s32 $0x80, s19;
	s21 =	sadd.s32 $0x4, s21;
	s23 =	sand.u32 $0x1FFFFFF0, s23  }
0x21: {  	s20 =	sld [smem:s22+$0x0];
	s22 =	simm.s32 $0x0;
	s23 =	sadd.s32 s3, s23  }
0x22: {  	[tilespmem:s19], [sflag:$0x1] =	stream.linear.gather [hbm4b:s23+s22], $0x80, $0x38;
	[tilespmem:$0x10400] =	vst v63  }
0x23: {  	p1 =	por $0x1, $0x1  }
.Ltmp1:
0x24: {  	s20 =	sshll.u32 s20, $0x4;
	(pc) =	sbr.rel @!p1 .LBB2_4-.Ltmp1, $4  }
0x25: {  	s20 =	sand.u32 $0x1FFFFFF0, s20  }
0x26: {  	s19 =	sadd.s32 $0x80, s19;
	s20 =	sadd.s32 s3, s20  }
0x27: {  	[tilespmem:s19], [sflag:$0x1] =	stream.linear.gather [hbm4b:s20+s22], $0x80, $0x38;
	[tilespmem:$0x10400] =	vst v63  }
0x28: {  	p0 =	por $0x0, $0x0;
	s19 =	simm.s32 $0x4400;
	s20 =	sld [smem:$0x80]  }
0x29: {  	_ = 	snop  }
0x2a: {  	p1 =	por $0x1, $0x1  }
.Ltmp2:
0x2b: {  	s20 =	sshll.u32 s20, $0x4;
	(pc) =	sbr.rel @!p1 .LBB2_6-.Ltmp2, $4  }
0x2c: {  	s21 =	sand.u32 $0x1FFFFFF0, s20  }
0x2d: {  	s20 =	sld [smem:$0x81];
	s21 =	sadd.s32 s3, s21  }
0x2e: {  	[tilespmem:s19], [sflag:$0x1] =	stream.linear.gather [hbm4b:s21+s2], $0x80, $0x38;
	[tilespmem:$0x10400] =	vst v63  }
0x2f: {  	s22 =	simm.s32 $0x8;
	p0 =	por $0x1, $0x1;
	s21 =	simm.s32 $0x4400  }
.LBB2_7:
0x30: {  	p1 =	sne.s32 s22, $0x1FC  }
.Ltmp3:
0x31: {  	_ = 	snop;
	(pc) =	sbr.rel @p1 .LBB2_7-.Ltmp3, $4  }
0x32: {  	s24 =	sshll.u32 s20, $0x4  }
0x33: {  	s23 =	sshra.s32 s22, $0x2;
	s21 =	sadd.s32 $0x80, s21;
	s31 =	sand.u32 $0x1FFFFFF0, s24  }
0x34: {  	s22 =	sadd.s32 $0x4, s22;
	s20 =	sld [smem:s23+$0x80];
	s23 =	sadd.s32 s3, s31  }
0x35: {  	[tilespmem:s21], [sflag:$0x1] =	stream.linear.gather [hbm4b:s23+s2], $0x80, $0x38;
	[tilespmem:$0x10400] =	vst v63  }
.LBB2_8:
0x36: {  	_ = 	snop  }
0x37: {  	s20 =	sshll.u32 s20, $0x4  }
0x38: {  	s21 =	sadd.s32 @p0 $0x80, s21;
	s20 =	sand.u32 $0x1FFFFFF0, s20  }
0x39: {  	s19 =	smov.u32 @p0 s21;
	s20 =	sadd.s32 s3, s20  }
0x3a: {  	[tilespmem:s19], [sflag:$0x1] =	stream.linear.gather [hbm4b:s20+s2], $0x80, $0x38;
	[tilespmem:$0x10400] =	vst v63  }
0x3b: {  	_ =	swait.ge [sflag:s14], $0x8000  }
0x3c: {  	[sflag:s14] =	ssyncset.done $0x0  }
0x3d: {  	s19 =	simm.s32 $0x0;
	[sflag:s14] =	ssyncadd.s32 $0xFFFF8000  }
0x3e: {  	[hbm4b:s6+s19] =	stream.linear.scatter [tilespmem:s15], [sflag:$0x2], $0x8000, $0x38;
	[tilespmem:$0x10400] =	vst v63  }
0x3f: {  	s31 =	sld [smem:$0x100];
	_ =	sdelay $0x2  }
0x40: {  	s20 =	sshll.u32 s31, $0x4  }
0x41: {  	s22 =	sand.u32 $0x1FFFFFF0, s20  }
0x42: {  	s21 =	sld [smem:$0x101];
	s20 =	simm.s32 $0x8400;
	s22 =	sadd.s32 s3, s22  }
0x43: {  	[tilespmem:s20], [sflag:$0x1] =	stream.linear.gather [hbm4b:s22+s19], $0x80, $0x38;
	[tilespmem:$0x10400] =	vst v63  }
0x44: {  	s22 =	simm.s32 $0x8  }
.LBB2_9:
0x45: {  	p0 =	sne.s32 s22, $0x1FC  }
.Ltmp4:
0x46: {  	_ = 	snop;
	(pc) =	sbr.rel @p0 .LBB2_9-.Ltmp4, $4  }
0x47: {  	s24 =	sshll.u32 s21, $0x4  }
0x48: {  	s23 =	sshra.s32 s22, $0x2;
	s20 =	sadd.s32 $0x80, s20;
	s31 =	sand.u32 $0x1FFFFFF0, s24  }
0x49: {  	s22 =	sadd.s32 $0x4, s22;
	s21 =	sld [smem:s23+$0x100];
	s23 =	sadd.s32 s3, s31  }
0x4a: {  	[tilespmem:s20], [sflag:$0x1] =	stream.linear.gather [hbm4b:s23+s19], $0x80, $0x38;
	[tilespmem:$0x10400] =	vst v63  }
0x4b: {  	_ = 	snop  }
0x4c: {  	s21 =	sshll.u32 s21, $0x4  }
0x4d: {  	s21 =	sand.u32 $0x1FFFFFF0, s21  }
0x4e: {  	s20 =	sadd.s32 $0x80, s20;
	s21 =	sadd.s32 s3, s21  }
0x4f: {  	[tilespmem:s20], [sflag:$0x1] =	stream.linear.gather [hbm4b:s21+s19], $0x80, $0x38;
	[tilespmem:$0x10400] =	vst v63  }
0x50: {  	s19 =	sld [smem:$0x180];
	_ =	sdelay $0x2  }
0x51: {  	s19 =	sshll.u32 s19, $0x4  }
0x52: {  	s31 =	sand.u32 $0x1FFFFFF0, s19  }
0x53: {  	s20 =	sld [smem:$0x181];
	s19 =	simm.s32 $0xC400;
	s21 =	sadd.s32 s3, s31  }
0x54: {  	[tilespmem:s19], [sflag:$0x1] =	stream.linear.gather [hbm4b:s21+s2], $0x80, $0x38;
	[tilespmem:$0x10400] =	vst v63  }
0x55: {  	s21 =	simm.s32 $0x8  }
.LBB2_11:
0x56: {  	p0 =	sne.s32 s21, $0x1FC  }
.Ltmp5:
0x57: {  	_ = 	snop;
	(pc) =	sbr.rel @p0 .LBB2_11-.Ltmp5, $4  }
0x58: {  	s23 =	sshll.u32 s20, $0x4  }
0x59: {  	s22 =	sshra.s32 s21, $0x2;
	s19 =	sadd.s32 $0x80, s19;
	s31 =	sand.u32 $0x1FFFFFF0, s23  }
0x5a: {  	s21 =	sadd.s32 $0x4, s21;
	s20 =	sld [smem:s22+$0x180];
	s22 =	sadd.s32 s3, s31  }
0x5b: {  	[tilespmem:s19], [sflag:$0x1] =	stream.linear.gather [hbm4b:s22+s2], $0x80, $0x38;
	[tilespmem:$0x10400] =	vst v63  }
0x5c: {  	_ = 	snop  }
0x5d: {  	s20 =	sshll.u32 s20, $0x4  }
0x5e: {  	s20 =	sand.u32 $0x1FFFFFF0, s20  }
0x5f: {  	s19 =	sadd.s32 $0x80, s19;
	s20 =	sadd.s32 s3, s20  }
0x60: {  	[tilespmem:s19], [sflag:$0x1] =	stream.linear.gather [hbm4b:s20+s2], $0x80, $0x38;
	[tilespmem:$0x10400] =	vst v63  }
0x61: {  	_ =	swait.ge [sflag:s14], $0x8000  }
0x62: {  	[sflag:s14] =	ssyncset.done $0x0  }
0x63: {  	s19 =	simm.s32 $0x0;
	[sflag:s14] =	ssyncadd.s32 $0xFFFF8000  }
0x64: {  	[hbm4b:s8+s19] =	stream.linear.scatter [tilespmem:s16], [sflag:$0x2], $0x8000, $0x38;
	[tilespmem:$0x10400] =	vst v63  }
0x65: {  	_ =	swait.ge [sflag:s17], $0x8000  }
0x66: {  	[sflag:s17] =	ssyncset.done $0x0  }
0x67: {  	[sflag:s17] =	ssyncadd.s32 $0xFFFF8000  }
0x68: {  	s31 =	sld [smem:$0x200];
	_ =	sdelay $0x2  }
0x69: {  	s20 =	sshll.u32 s31, $0x4  }
0x6a: {  	s22 =	sand.u32 $0x1FFFFFF0, s20  }
0x6b: {  	s21 =	sld [smem:$0x201];
	s20 =	simm.s32 $0x400;
	s22 =	sadd.s32 s3, s22  }
0x6c: {  	[tilespmem:s20], [sflag:$0x1] =	stream.linear.gather [hbm4b:s22+s19], $0x80, $0x38;
	[tilespmem:$0x10400] =	vst v63  }
0x6d: {  	s22 =	simm.s32 $0x8  }
.LBB2_13:
0x6e: {  	p0 =	sne.s32 s22, $0x1FC  }
.Ltmp6:
0x6f: {  	_ = 	snop;
	(pc) =	sbr.rel @p0 .LBB2_13-.Ltmp6, $4  }
0x70: {  	s24 =	sshll.u32 s21, $0x4  }
0x71: {  	s23 =	sshra.s32 s22, $0x2;
	s20 =	sadd.s32 $0x80, s20;
	s31 =	sand.u32 $0x1FFFFFF0, s24  }
0x72: {  	s22 =	sadd.s32 $0x4, s22;
	s21 =	sld [smem:s23+$0x200];
	s23 =	sadd.s32 s3, s31  }
0x73: {  	[tilespmem:s20], [sflag:$0x1] =	stream.linear.gather [hbm4b:s23+s19], $0x80, $0x38;
	[tilespmem:$0x10400] =	vst v63  }
0x74: {  	_ = 	snop  }
0x75: {  	s21 =	sshll.u32 s21, $0x4  }
0x76: {  	s21 =	sand.u32 $0x1FFFFFF0, s21  }
0x77: {  	s20 =	sadd.s32 $0x80, s20;
	s21 =	sadd.s32 s3, s21  }
0x78: {  	[tilespmem:s20], [sflag:$0x1] =	stream.linear.gather [hbm4b:s21+s19], $0x80, $0x38;
	[tilespmem:$0x10400] =	vst v63  }
0x79: {  	s19 =	sld [smem:$0x280];
	_ =	sdelay $0x2  }
0x7a: {  	s19 =	sshll.u32 s19, $0x4  }
0x7b: {  	s31 =	sand.u32 $0x1FFFFFF0, s19  }
0x7c: {  	s20 =	sld [smem:$0x281];
	s19 =	simm.s32 $0x4400;
	s21 =	sadd.s32 s3, s31  }
0x7d: {  	[tilespmem:s19], [sflag:$0x1] =	stream.linear.gather [hbm4b:s21+s2], $0x80, $0x38;
	[tilespmem:$0x10400] =	vst v63  }
0x7e: {  	s21 =	simm.s32 $0x8  }
.LBB2_15:
0x7f: {  	p0 =	sne.s32 s21, $0x1FC  }
.Ltmp7:
0x80: {  	_ = 	snop;
	(pc) =	sbr.rel @p0 .LBB2_15-.Ltmp7, $4  }
0x81: {  	s23 =	sshll.u32 s20, $0x4  }
0x82: {  	s22 =	sshra.s32 s21, $0x2;
	s19 =	sadd.s32 $0x80, s19;
	s31 =	sand.u32 $0x1FFFFFF0, s23  }
0x83: {  	s21 =	sadd.s32 $0x4, s21;
	s20 =	sld [smem:s22+$0x280];
	s22 =	sadd.s32 s3, s31  }
0x84: {  	[tilespmem:s19], [sflag:$0x1] =	stream.linear.gather [hbm4b:s22+s2], $0x80, $0x38;
	[tilespmem:$0x10400] =	vst v63  }
0x85: {  	_ = 	snop  }
0x86: {  	s20 =	sshll.u32 s20, $0x4  }
0x87: {  	s20 =	sand.u32 $0x1FFFFFF0, s20  }
0x88: {  	s19 =	sadd.s32 $0x80, s19;
	s20 =	sadd.s32 s3, s20  }
0x89: {  	[tilespmem:s19], [sflag:$0x1] =	stream.linear.gather [hbm4b:s20+s2], $0x80, $0x38;
	[tilespmem:$0x10400] =	vst v63  }
0x8a: {  	_ =	swait.ge [sflag:s14], $0x8000  }
0x8b: {  	[sflag:s14] =	ssyncset.done $0x0  }
0x8c: {  	s19 =	simm.s32 $0x0;
	[sflag:s14] =	ssyncadd.s32 $0xFFFF8000  }
0x8d: {  	[hbm4b:s9+s19] =	stream.linear.scatter [tilespmem:s15], [sflag:$0x2], $0x8000, $0x38;
	[tilespmem:$0x10400] =	vst v63  }
0x8e: {  	_ =	swait.ge [sflag:s17], $0x8000  }
0x8f: {  	[sflag:s17] =	ssyncset.done $0x0  }
0x90: {  	[sflag:s17] =	ssyncadd.s32 $0xFFFF8000  }
0x91: {  	s31 =	sld [smem:$0x300];
	_ =	sdelay $0x2  }
0x92: {  	s20 =	sshll.u32 s31, $0x4  }
0x93: {  	s22 =	sand.u32 $0x1FFFFFF0, s20  }
0x94: {  	s21 =	sld [smem:$0x301];
	s20 =	simm.s32 $0x8400;
	s22 =	sadd.s32 s3, s22  }
0x95: {  	[tilespmem:s20], [sflag:$0x1] =	stream.linear.gather [hbm4b:s22+s19], $0x80, $0x38;
	[tilespmem:$0x10400] =	vst v63  }
0x96: {  	s22 =	simm.s32 $0x8  }
.LBB2_17:
0x97: {  	p0 =	sne.s32 s22, $0x1FC  }
.Ltmp8:
0x98: {  	_ = 	snop;
	(pc) =	sbr.rel @p0 .LBB2_17-.Ltmp8, $4  }
0x99: {  	s24 =	sshll.u32 s21, $0x4  }
0x9a: {  	s23 =	sshra.s32 s22, $0x2;
	s20 =	sadd.s32 $0x80, s20;
	s31 =	sand.u32 $0x1FFFFFF0, s24  }
0x9b: {  	s22 =	sadd.s32 $0x4, s22;
	s21 =	sld [smem:s23+$0x300];
	s23 =	sadd.s32 s3, s31  }
0x9c: {  	[tilespmem:s20], [sflag:$0x1] =	stream.linear.gather [hbm4b:s23+s19], $0x80, $0x38;
	[tilespmem:$0x10400] =	vst v63  }
0x9d: {  	_ = 	snop  }
0x9e: {  	s21 =	sshll.u32 s21, $0x4  }
0x9f: {  	s21 =	sand.u32 $0x1FFFFFF0, s21  }
0xa0: {  	s20 =	sadd.s32 $0x80, s20;
	s21 =	sadd.s32 s3, s21  }
0xa1: {  	[tilespmem:s20], [sflag:$0x1] =	stream.linear.gather [hbm4b:s21+s19], $0x80, $0x38;
	[tilespmem:$0x10400] =	vst v63  }
0xa2: {  	s19 =	sld [smem:$0x380];
	_ =	sdelay $0x2  }
0xa3: {  	s19 =	sshll.u32 s19, $0x4  }
0xa4: {  	s31 =	sand.u32 $0x1FFFFFF0, s19  }
0xa5: {  	s20 =	sld [smem:$0x381];
	s19 =	simm.s32 $0xC400;
	s21 =	sadd.s32 s3, s31  }
0xa6: {  	[tilespmem:s19], [sflag:$0x1] =	stream.linear.gather [hbm4b:s21+s2], $0x80, $0x38;
	[tilespmem:$0x10400] =	vst v63  }
0xa7: {  	s21 =	simm.s32 $0x8  }
.LBB2_19:
0xa8: {  	p0 =	sne.s32 s21, $0x1FC  }
.Ltmp9:
0xa9: {  	_ = 	snop;
	(pc) =	sbr.rel @p0 .LBB2_19-.Ltmp9, $4  }
0xaa: {  	s23 =	sshll.u32 s20, $0x4  }
0xab: {  	s22 =	sshra.s32 s21, $0x2;
	s19 =	sadd.s32 $0x80, s19;
	s31 =	sand.u32 $0x1FFFFFF0, s23  }
0xac: {  	s21 =	sadd.s32 $0x4, s21;
	s20 =	sld [smem:s22+$0x380];
	s22 =	sadd.s32 s3, s31  }
0xad: {  	[tilespmem:s19], [sflag:$0x1] =	stream.linear.gather [hbm4b:s22+s2], $0x80, $0x38;
	[tilespmem:$0x10400] =	vst v63  }
0xae: {  	_ = 	snop  }
0xaf: {  	s20 =	sshll.u32 s20, $0x4  }
0xb0: {  	s20 =	sand.u32 $0x1FFFFFF0, s20  }
0xb1: {  	s19 =	sadd.s32 $0x80, s19;
	s20 =	sadd.s32 s3, s20  }
0xb2: {  	[tilespmem:s19], [sflag:$0x1] =	stream.linear.gather [hbm4b:s20+s2], $0x80, $0x38;
	[tilespmem:$0x10400] =	vst v63  }
0xb3: {  	_ =	swait.ge [sflag:s14], $0x8000  }
0xb4: {  	[sflag:s14] =	ssyncset.done $0x0  }
0xb5: {  	s18 =	sadd.s32 $0x1, s18;
	[sflag:s14] =	ssyncadd.s32 $0xFFFF8000  }
0xb6: {  	[hbm4b:s10+s2] =	stream.linear.scatter [tilespmem:s16], [sflag:$0x2], $0x8000, $0x38;
	[tilespmem:$0x10400] =	vst v63  }
0xb7: {  	p0 =	sne.s32 s18, s11;
	_ =	swait.ge [sflag:s17], $0x8000  }
.Ltmp10:
0xb8: {  	[sflag:s17] =	ssyncset.done $0x0;
	(pc) =	sbr.rel @p0 .LBB2_1-.Ltmp10, $4  }
.Ltmp11:
0xb9: {  	[sflag:s17] =	ssyncadd.s32 $0xFFFF8000;
	(pc) =	sbr.rel @!p0 .LBB2_21-.Ltmp11, $4  }
0xba: {  	_ =	swait.ge [sflag:s17], $0x8000  }
0xbb: {  	[sflag:s17] =	ssyncset.done $0x0  }
0xbc: {  	[sflag:s17] =	ssyncadd.s32 $0xFFFF8000  }
0xbd: {  	_ = 	snop  }
.LBB2_4:
.Ltmp12:
0xbe: {  	(pc) =	sbr.rel .LBB2_8-.Ltmp12, $2  }
0xbf: {  	_ =	sdelay $0x2  }
0xc0: {  	s21 =	simm.s32 $0x4400  }
.LBB2_6:
.Ltmp13:
0xc1: {  	(pc) =	sbr.rel .LBB2_8-.Ltmp13, $2  }
0xc2: {  	_ =	sdelay $0x2  }
0xc3: {  	s21 =	simm.s32 $0x4400  }
.LBB2_21:
0xc4: {  	_ =	sfence.sel $0x180000  }
0xc5: {  	[bflag:$0x0] =	sbarrier.arrive $0xFFFF  }
0xc6: {  	p0 =	sne.s32 s1, $0x0;
	_ =	strace $0x90000047  }
0xc7: {  	s0 =	sadd.s32 @!p0 $0x100000, s0;
	[bflag:$0x2] =	sbarrier.arrive $0xFFFF  }
0xc8: {  	[sflag:s0] =	ssyncadd.tile.s32 @!p0 $0x1;
	_ =	shalt  }
.Lfunc_end2:
_tile_overlayer_lowered:
.L_overlay_start_2:
0xc9: {  	(tag) =	ssettag $0x2  }
0xca: {  	s0 =	rddreg [dreg:$0x0];
	s2 =	stileid.u32  }
0xcb: {  	s1 =	rddreg [dreg:$0x1];
	p0 =	sne.s32 s2, $0x0  }
0xcc: {  	s3 =	rddreg [dreg:$0x2];
	[bflag:$0x3] =	sbarrier.arrive $0xFFFF;
	s2 =	simm.s32 @!p0 $0x1C03  }
0xcd: {  	[timem:s3], [sflag:s2] =	dma.local @!p0 [hbm:s0], s1  }
0xce: {  	s0 =	simm.s32 @!p0 $0x3  }
0xcf: {  	_ =	swait.ge @!p0 [sflag:s0], s1  }
0xd0: {  	s1 =	ssub.s32 @!p0 $0x0, s1;
	[sflag:s0] =	ssyncset.done @!p0 $0x0  }
0xd1: {  	[sflag:s0] =	ssyncadd.s32 @!p0 s1  }
0xd2: {  	[bflag:$0x3] =	sbarrier.arrive $0xFFFF  }
0xd3: {  	_ =	shalt  }

</sc_bundles>
